<compile_context>
chip_gen: v7x
topology: tpu7x:2x2x1
jax: 0.10.2.dev20260603
libtpu: 0.0.44.dev20260713+nightly
codegen_flags: <defaults>
</compile_context>

<pallas_src>
import functools

import jax
import jax.numpy as jnp
from jax import lax
from jax.experimental import pallas as pl
from jax.experimental.pallas import tpu as pltpu
from jax.experimental.pallas import tpu_sc as plsc

VOCAB = 100000
EMB = 1024
HID = 4096
EPS = 1e-12

NC = 2
NS = 16
NW = NC * NS

TOK = 8192
CHUNK = 32
M_BLK = 512
SEGMENTS = ((0, 2048), (2048, 6144))


def _sc_gather_body(start, npw, ids_hbm, table_hbm, out_hbm, idx_v,
                    buf0, buf1, buf2, sg0, sg1, sg2, sc0, sc1, sc2):
    nch = npw // CHUNK
    c = lax.axis_index("c")
    s = lax.axis_index("s")
    wid = s * NC + c
    base = wid * npw
    pltpu.sync_copy(ids_hbm.at[pl.ds(start + base, npw)], idx_v)
    bufs = (buf0, buf1, buf2)
    gsem = (sg0, sg1, sg2)
    csem = (sc0, sc1, sc2)

    def start_gather(ch):
        return pltpu.async_copy(
            table_hbm.at[idx_v.at[pl.ds(ch * CHUNK, CHUNK)]],
            bufs[ch % 3], gsem[ch % 3])

    g = [None] * nch
    cp = [None] * nch
    for ch in range(min(2, nch)):
        g[ch] = start_gather(ch)
    for ch in range(nch):
        g[ch].wait()
        if ch >= 1:
            cp[ch - 1].wait()
        if ch + 2 < nch:
            g[ch + 2] = start_gather(ch + 2)
        cp[ch] = pltpu.async_copy(
            bufs[ch % 3], out_hbm.at[pl.ds(base + ch * CHUNK, CHUNK)],
            csem[ch % 3])
    cp[nch - 1].wait()


@functools.partial(jax.jit, static_argnums=(0, 1))
def _sc_gather(start, ntok, ids, table):
    npw = ntok // NW
    mesh = plsc.VectorSubcoreMesh(core_axis_name="c", subcore_axis_name="s")
    run = functools.partial(
        pl.kernel,
        mesh=mesh,
        out_type=jax.ShapeDtypeStruct((ntok, EMB), jnp.float32),
        scratch_types=[
            pltpu.VMEM((npw,), jnp.int32),
            pltpu.VMEM((CHUNK, EMB), jnp.float32),
            pltpu.VMEM((CHUNK, EMB), jnp.float32),
            pltpu.VMEM((CHUNK, EMB), jnp.float32),
            pltpu.SemaphoreType.DMA,
            pltpu.SemaphoreType.DMA,
            pltpu.SemaphoreType.DMA,
            pltpu.SemaphoreType.DMA,
            pltpu.SemaphoreType.DMA,
            pltpu.SemaphoreType.DMA,
        ],
    )(functools.partial(_sc_gather_body, start, npw))
    return run(ids, table)


def _tc_body(sid_ref, x_ref, seg_ref, gamma_ref, beta_ref, w_ref, b_ref,
             *rest):
    out_ref = rest[-1]
    seg = seg_ref[...]
    row0 = seg[0:1, :]
    row1 = seg[1:2, :]
    w = w_ref[...]
    half = M_BLK // 2
    for h in range(2):
        sl = pl.ds(h * half, half)
        x = x_ref[sl, :]
        sid = sid_ref[sl, :].astype(jnp.float32)
        x = x + row0 + sid * (row1 - row0)
        mu = jnp.mean(x, axis=1, keepdims=True)
        xc = x - mu
        var = jnp.mean(xc * xc, axis=1, keepdims=True)
        y = xc * lax.rsqrt(var + EPS) * gamma_ref[...] + beta_ref[...]
        out_ref[sl, :] = (
            jnp.dot(y, w, preferred_element_type=jnp.float32) + b_ref[...]
        )


def _tc_dense_seg(sid, x, seg, gamma, beta, w, b, prev, start, ntok):
    base = start // M_BLK
    in_specs = [
        pl.BlockSpec((M_BLK, 1), lambda i: (i + base, 0)),
        pl.BlockSpec((M_BLK, EMB), lambda i: (i, 0)),
        pl.BlockSpec((2, EMB), lambda i: (0, 0)),
        pl.BlockSpec((1, EMB), lambda i: (0, 0)),
        pl.BlockSpec((1, EMB), lambda i: (0, 0)),
        pl.BlockSpec((EMB, HID), lambda i: (0, 0)),
        pl.BlockSpec((1, HID), lambda i: (0, 0)),
    ]
    args = [sid, x, seg, gamma, beta, w, b]
    aliases = {}
    if prev is not None:
        in_specs.append(pl.BlockSpec(memory_space=pl.MemorySpace.ANY))
        args.append(prev)
        aliases = {7: 0}
    return pl.pallas_call(
        _tc_body,
        grid=(ntok // M_BLK,),
        in_specs=in_specs,
        out_specs=pl.BlockSpec((M_BLK, HID), lambda i: (i + base, 0)),
        out_shape=jax.ShapeDtypeStruct((TOK, HID), jnp.float32),
        input_output_aliases=aliases,
        compiler_params=pltpu.CompilerParams(
            dimension_semantics=("arbitrary",),
        ),
    )(*args)


def kernel(input_ids, segment_ids, token_table, segment_table, ln_gamma, ln_beta, W, b):
    bsz, seq = input_ids.shape
    ids = input_ids.reshape(TOK)
    sid = segment_ids.reshape(TOK, 1)
    gamma2 = ln_gamma.reshape(1, EMB)
    beta2 = ln_beta.reshape(1, EMB)
    b2 = b.reshape(1, HID)

    gathered = [_sc_gather(s0, n, ids, token_table) for s0, n in SEGMENTS]
    out = None
    for (s0, n), g in zip(SEGMENTS, gathered):
        out = _tc_dense_seg(
            sid, g, segment_table, gamma2, beta2, W, b2, out, s0, n
        )
    return out.reshape(bsz, seq, HID)

# --- scband reference (transcript-rebuilt; emitter-appended) ---
"""Pipeline reference for scband-bert-embeddings-86517821215405 (READ-ONLY COPY).

The authoritative reference and input builder live on the scoring server;
editing this copy changes nothing except your own understanding.
"""

import jax, jax.numpy as jnp
import numpy as np

VOCAB = 100000
TYPE_VOCAB = 2
EMB = 1024
HID = 4096
B = 2
S = 4096
EPS = 1e-12


def setup_inputs(seed: int = 0) -> dict:
    key = jax.random.key(seed)
    ks = jax.random.split(key, 8)
    return {
        "input_ids": jax.random.randint(ks[0], (B, S), 0, VOCAB, dtype=jnp.int32),
        "segment_ids": jax.random.randint(ks[1], (B, S), 0, TYPE_VOCAB, dtype=jnp.int32),
        "token_table": jax.random.normal(ks[2], (VOCAB, EMB), dtype=jnp.float32) * 0.02,
        "segment_table": jax.random.normal(ks[3], (TYPE_VOCAB, EMB), dtype=jnp.float32) * 0.02,
        "ln_gamma": jnp.ones((EMB,), dtype=jnp.float32),
        "ln_beta": jnp.zeros((EMB,), dtype=jnp.float32),
        "W": jax.random.normal(ks[4], (EMB, HID), dtype=jnp.float32) * 0.02,
        "b": jnp.zeros((HID,), dtype=jnp.float32),
    }


def reference(input_ids, segment_ids, token_table, segment_table, ln_gamma, ln_beta, W, b):
    # token embedding lookup (gather)
    outputs = jnp.take(token_table, input_ids, axis=0)
    # segment embedding lookup (type_vocab_size > 0, not shared)
    segment_outputs = jnp.take(segment_table, segment_ids, axis=0)
    outputs = outputs + segment_outputs
    # LayerNorm over last dim
    mu = jnp.mean(outputs, axis=-1, keepdims=True)
    var = jnp.var(outputs, axis=-1, keepdims=True)
    outputs = (outputs - mu) / jnp.sqrt(var + EPS) * ln_gamma + ln_beta
    # dropout: identity in eval / deterministic mode
    # embedding_size != hidden_size -> output dense projection
    outputs = jnp.dot(outputs, W) + b
    return outputs

if __name__ == "__main__":
    import jax
    _d = setup_inputs()
    print(jax.jit(kernel)(*tuple(_d.values())))

</pallas_src>

<mosaic_0001>
#map = affine_map<(d0, d1) -> (0)>
#map1 = affine_map<(d0, d1) -> (0, 0)>
module attributes {stable_mosaic.version = 14 : i64} {
  func.func @_sc_gather_body(%arg0: i32, %arg1: i32, %arg2: memref<8192xi32, #tpu.memory_space<hbm>>, %arg3: memref<100000x1024xf32, #tpu.memory_space<hbm>>, %arg4: memref<2048x1024xf32, #tpu.memory_space<hbm>>, %arg5: memref<64xi32, #tpu.memory_space<vmem>>, %arg6: memref<32x1024xf32, #tpu.memory_space<vmem>>, %arg7: memref<32x1024xf32, #tpu.memory_space<vmem>>, %arg8: memref<32x1024xf32, #tpu.memory_space<vmem>>, %arg9: memref<!tpu.dma_semaphore, #tpu.memory_space<semaphore_mem>>, %arg10: memref<!tpu.dma_semaphore, #tpu.memory_space<semaphore_mem>>, %arg11: memref<!tpu.dma_semaphore, #tpu.memory_space<semaphore_mem>>, %arg12: memref<!tpu.dma_semaphore, #tpu.memory_space<semaphore_mem>>, %arg13: memref<!tpu.dma_semaphore, #tpu.memory_space<semaphore_mem>>, %arg14: memref<!tpu.dma_semaphore, #tpu.memory_space<semaphore_mem>>) attributes {dimension_semantics = [#tpu.dimension_semantics<core_parallel>, #tpu.dimension_semantics<subcore_parallel>], iteration_bounds = array<i64: 2, 16>, scalar_prefetch = 0 : i64, scratch_operands = 10 : i64, tpu.core_type = #tpu.core_type<sc_vector_subcore>, window_params = [{transform_indices = #map}, {transform_indices = #map1}, {transform_indices = #map1}]} {
    %mul3A = arith.constant 2 : i32
    %mul3A_0 = arith.muli %arg1, %mul3A : i32
    %add3A = arith.addi %mul3A_0, %arg0 : i32
    %mul3A_1 = arith.constant 64 : i32
    %mul3A_2 = arith.muli %add3A, %mul3A_1 : i32
    %add3A_3 = arith.constant 0 : i32
    %add3A_4 = arith.addi %add3A_3, %mul3A_2 : i32
    "tpu.region"() ({
      %run_scoped3A = tpu.sem_alloc : memref<!tpu.dma_semaphore, #tpu.memory_space<semaphore_mem>>
      %dma_start3A_43 = tpu.memref_slice %arg2[%add3A_4] : memref<8192xi32, #tpu.memory_space<hbm>> -> memref<64xi32, #tpu.memory_space<hbm>>
      %dma_start3A_44 = tpu.memref_slice %arg2[%add3A_4] : memref<8192xi32, #tpu.memory_space<hbm>> -> memref<64xi32, #tpu.memory_space<hbm>>
      tpu.enqueue_dma source(%dma_start3A_44 : memref<64xi32, #tpu.memory_space<hbm>>) target(%arg5 : memref<64xi32, #tpu.memory_space<vmem>>) target_semaphore(%run_scoped3A : memref<!tpu.dma_semaphore, #tpu.memory_space<semaphore_mem>>)
      %dma_wait3A_45 = tpu.memref_slice %arg2[%add3A_4] : memref<8192xi32, #tpu.memory_space<hbm>> -> memref<64xi32, #tpu.memory_space<hbm>>
      %dma_wait3A_46 = tpu.memref_slice %arg2[%add3A_4] : memref<8192xi32, #tpu.memory_space<hbm>> -> memref<64xi32, #tpu.memory_space<hbm>>
      tpu.wait_dma2 semaphore(%run_scoped3A : memref<!tpu.dma_semaphore, #tpu.memory_space<semaphore_mem>>) src(%dma_wait3A_46 : memref<64xi32, #tpu.memory_space<hbm>>) dst(%arg5 : memref<64xi32, #tpu.memory_space<vmem>>)
      tpu.yield
    }) : () -> ()
    %dma_start3A = arith.constant 0 : i32
    %dma_start3A_5 = tpu.memref_slice %arg5[%dma_start3A] : memref<64xi32, #tpu.memory_space<vmem>> -> memref<32xi32, #tpu.memory_space<vmem>>
    %dma_start3A_6 = arith.constant 0 : i32
    %dma_start3A_7 = arith.constant 0 : i32
    %dma_start3A_8 = tpu.memref_slice %arg3[%dma_start3A_6, %dma_start3A_7] : memref<100000x1024xf32, #tpu.memory_space<hbm>> -> memref<100000x1024xf32, #tpu.memory_space<hbm>>
    tpu.enqueue_indirect_dma source(%dma_start3A_8 : memref<100000x1024xf32, #tpu.memory_space<hbm>>) target(%arg6 : memref<32x1024xf32, #tpu.memory_space<vmem>>) offsets(%dma_start3A_5 : memref<32xi32, #tpu.memory_space<vmem>>) semaphore(%arg9 : memref<!tpu.dma_semaphore, #tpu.memory_space<semaphore_mem>>)
    %dma_start3A_9 = arith.constant 32 : i32
    %dma_start3A_10 = tpu.memref_slice %arg5[%dma_start3A_9] : memref<64xi32, #tpu.memory_space<vmem>> -> memref<32xi32, #tpu.memory_space<vmem>>
    %dma_start3A_11 = arith.constant 0 : i32
    %dma_start3A_12 = arith.constant 0 : i32
    %dma_start3A_13 = tpu.memref_slice %arg3[%dma_start3A_11, %dma_start3A_12] : memref<100000x1024xf32, #tpu.memory_space<hbm>> -> memref<100000x1024xf32, #tpu.memory_space<hbm>>
    tpu.enqueue_indirect_dma source(%dma_start3A_13 : memref<100000x1024xf32, #tpu.memory_space<hbm>>) target(%arg7 : memref<32x1024xf32, #tpu.memory_space<vmem>>) offsets(%dma_start3A_10 : memref<32xi32, #tpu.memory_space<vmem>>) semaphore(%arg10 : memref<!tpu.dma_semaphore, #tpu.memory_space<semaphore_mem>>)
    %dma_wait3A = arith.constant 0 : i32
    %dma_wait3A_14 = tpu.memref_slice %arg5[%dma_wait3A] : memref<64xi32, #tpu.memory_space<vmem>> -> memref<32xi32, #tpu.memory_space<vmem>>
    %dma_wait3A_15 = arith.constant 0 : i32
    %dma_wait3A_16 = arith.constant 0 : i32
    %dma_wait3A_17 = tpu.memref_slice %arg3[%dma_wait3A_15, %dma_wait3A_16] : memref<100000x1024xf32, #tpu.memory_space<hbm>> -> memref<100000x1024xf32, #tpu.memory_space<hbm>>
    tpu.wait_indirect_dma semaphore(%arg9 : memref<!tpu.dma_semaphore, #tpu.memory_space<semaphore_mem>>) src(%dma_wait3A_17 : memref<100000x1024xf32, #tpu.memory_space<hbm>>) dst(%arg6 : memref<32x1024xf32, #tpu.memory_space<vmem>>)
    %add3A_18 = arith.constant 0 : i32
    %add3A_19 = arith.addi %mul3A_2, %add3A_18 : i32
    %dma_start3A_20 = arith.constant 0 : i32
    %dma_start3A_21 = tpu.memref_slice %arg4[%add3A_19, %dma_start3A_20] : memref<2048x1024xf32, #tpu.memory_space<hbm>> -> memref<32x1024xf32, #tpu.memory_space<hbm>>
    %dma_start3A_22 = arith.constant 0 : i32
    %dma_start3A_23 = tpu.memref_slice %arg4[%add3A_19, %dma_start3A_22] : memref<2048x1024xf32, #tpu.memory_space<hbm>> -> memref<32x1024xf32, #tpu.memory_space<hbm>>
    tpu.enqueue_dma source(%arg6 : memref<32x1024xf32, #tpu.memory_space<vmem>>) target(%dma_start3A_23 : memref<32x1024xf32, #tpu.memory_space<hbm>>) target_semaphore(%arg12 : memref<!tpu.dma_semaphore, #tpu.memory_space<semaphore_mem>>)
    %dma_wait3A_24 = arith.constant 32 : i32
    %dma_wait3A_25 = tpu.memref_slice %arg5[%dma_wait3A_24] : memref<64xi32, #tpu.memory_space<vmem>> -> memref<32xi32, #tpu.memory_space<vmem>>
    %dma_wait3A_26 = arith.constant 0 : i32
    %dma_wait3A_27 = arith.constant 0 : i32
    %dma_wait3A_28 = tpu.memref_slice %arg3[%dma_wait3A_26, %dma_wait3A_27] : memref<100000x1024xf32, #tpu.memory_space<hbm>> -> memref<100000x1024xf32, #tpu.memory_space<hbm>>
    tpu.wait_indirect_dma semaphore(%arg10 : memref<!tpu.dma_semaphore, #tpu.memory_space<semaphore_mem>>) src(%dma_wait3A_28 : memref<100000x1024xf32, #tpu.memory_space<hbm>>) dst(%arg7 : memref<32x1024xf32, #tpu.memory_space<vmem>>)
    %dma_wait3A_29 = arith.constant 0 : i32
    %dma_wait3A_30 = tpu.memref_slice %arg4[%add3A_19, %dma_wait3A_29] : memref<2048x1024xf32, #tpu.memory_space<hbm>> -> memref<32x1024xf32, #tpu.memory_space<hbm>>
    %dma_wait3A_31 = arith.constant 0 : i32
    %dma_wait3A_32 = tpu.memref_slice %arg4[%add3A_19, %dma_wait3A_31] : memref<2048x1024xf32, #tpu.memory_space<hbm>> -> memref<32x1024xf32, #tpu.memory_space<hbm>>
    tpu.wait_dma2 semaphore(%arg12 : memref<!tpu.dma_semaphore, #tpu.memory_space<semaphore_mem>>) src(%arg6 : memref<32x1024xf32, #tpu.memory_space<vmem>>) dst(%dma_wait3A_32 : memref<32x1024xf32, #tpu.memory_space<hbm>>)
    %add3A_33 = arith.constant 32 : i32
    %add3A_34 = arith.addi %mul3A_2, %add3A_33 : i32
    %dma_start3A_35 = arith.constant 0 : i32
    %dma_start3A_36 = tpu.memref_slice %arg4[%add3A_34, %dma_start3A_35] : memref<2048x1024xf32, #tpu.memory_space<hbm>> -> memref<32x1024xf32, #tpu.memory_space<hbm>>
    %dma_start3A_37 = arith.constant 0 : i32
    %dma_start3A_38 = tpu.memref_slice %arg4[%add3A_34, %dma_start3A_37] : memref<2048x1024xf32, #tpu.memory_space<hbm>> -> memref<32x1024xf32, #tpu.memory_space<hbm>>
    tpu.enqueue_dma source(%arg7 : memref<32x1024xf32, #tpu.memory_space<vmem>>) target(%dma_start3A_38 : memref<32x1024xf32, #tpu.memory_space<hbm>>) target_semaphore(%arg13 : memref<!tpu.dma_semaphore, #tpu.memory_space<semaphore_mem>>)
    %dma_wait3A_39 = arith.constant 0 : i32
    %dma_wait3A_40 = tpu.memref_slice %arg4[%add3A_34, %dma_wait3A_39] : memref<2048x1024xf32, #tpu.memory_space<hbm>> -> memref<32x1024xf32, #tpu.memory_space<hbm>>
    %dma_wait3A_41 = arith.constant 0 : i32
    %dma_wait3A_42 = tpu.memref_slice %arg4[%add3A_34, %dma_wait3A_41] : memref<2048x1024xf32, #tpu.memory_space<hbm>> -> memref<32x1024xf32, #tpu.memory_space<hbm>>
    tpu.wait_dma2 semaphore(%arg13 : memref<!tpu.dma_semaphore, #tpu.memory_space<semaphore_mem>>) src(%arg7 : memref<32x1024xf32, #tpu.memory_space<vmem>>) dst(%dma_wait3A_42 : memref<32x1024xf32, #tpu.memory_space<hbm>>)
    return
  }
}

</mosaic_0001>

<sc_bundles>
// kernel: _sc_gather.3.cloned.1.call-start
scs
__scs_entry_jumppad:
0x0: {  	(pc) =	sbr.rel $0x88, $3  }
0x1: {  	(tag) =	ssettag $0x0;
	lr =	simm.s32 $0x1  }
0x2: {  	[smem:$0x3F9F] =	sst lr;
	_ =	strace $0xD0000000  }
0x3: {  	_ = 	snop  }
0x4: {  	_ = 	snop  }
0x5: {  	_ = 	snop  }
0x6: {  	_ = 	snop  }
0x7: {  	_ = 	snop  }
__scs_overlays_trampoline_lowered:
0x8: {  	[smem:$0x3FAE] =	sst s0  }
0x9: {  	[smem:$0x3FAF] =	sst s1  }
0xa: {  	[smem:$0x3FB0] =	sst s2  }
0xb: {  	[smem:$0x3FB1] =	sst s3  }
0xc: {  	[smem:$0x3FB2] =	sst s4  }
0xd: {  	[smem:$0x3FB3] =	sst s5  }
0xe: {  	[smem:$0x3FB4] =	sst s6  }
0xf: {  	[smem:$0x3FB5] =	sst s7  }
0x10: {  	[smem:$0x3FB6] =	sst s8  }
0x11: {  	[smem:$0x3FB7] =	sst s9;
	s0 =	simm.s32 @!p0 $0x0  }
0x12: {  	s1 =	sld [smem:$0x3F9D];
	s0 =	simm.s32 @p0 $0x1  }
0x13: {  	[smem:$0x3FB8] =	sst s0;
	s0 =	simm.s32 @!p1 $0x0  }
0x14: {  	s2 =	sld [smem:$0x3F9C];
	s0 =	simm.s32 @p1 $0x1  }
0x15: {  	[smem:$0x3FB9] =	sst s0;
	s0 =	simm.s32 @!p2 $0x0  }
0x16: {  	s3 =	sld [smem:$0x3FDB];
	s0 =	simm.s32 @p2 $0x1  }
0x17: {  	s4 =	simm.s32 $0x1BF5;
	[smem:$0x3FBB] =	sst s0  }
0x18: {  	s0 =	sld [smem:$0x3F9E];
	_ =	swait.ge [sflag:s4], $0x0  }
0x19: {  	s7 =	sld [smem:$0x3F9F]  }
0x1a: {  	s8 =	sadd.s32 $0xFFFFE003, lr  }
0x1b: {  	s9 =	sadd.s32 $0xFFFFFEF7, lr;
	s5 =	simm.s32 $0xFFFFFFFF;
	p2 =	slt.u32 s8, $0xFFFFF086  }
0x1c: {  	p1 =	slt.u32 s9, $0xF7A;
	s5 =	simm.s32 @!p2 $0x0  }
0x1d: {  	s5 =	simm.s32 @p1 $0x1;
	p0 =	seq.s32 s7, s2  }
0x1e: {  	s7 =	smul.u32 @!p0 $0xF7A, s2;
	p2 =	seq.s32 @!p0 s5, $0x0  }
0x1f: {  	s9 =	smul.u32 $0xF7A, s1;
	s8 =	simm.s32 @!p0 $0x1BF5;
	p2 =	por !p2, p0  }
0x20: {  	[sflag:s8] =	ssyncset.s32 @!p0 $0xFFFFF086;
	s6 =	sadd.s32 @!p0 s3, s7;
	s7 =	simm.s32 @!p0 $0x108  }
0x21: {  	s3 =	sadd.s32 s3, s9;
	s6 =	sadd.s32 @!p0 $0x88, s6;
	s7 =	simm.s32 @p2 $0x1082  }
0x22: {  	[simem:s7], [sflag:s8] =	dma.local @!p0 [hbm:s6], $0xF7A  }
0x23: {  	s9 =	sor.u32 $0xD0000000, s2;
	s6 =	simm.s32 $0x108;
	_ =	swait.ge @!p0 [sflag:s8], $0x0  }
0x24: {  	s3 =	sadd.s32 $0x88, s3;
	s6 =	simm.s32 @!p1 $0x1082;
	[sflag:s4] =	ssyncset.s32 $0xFFFFF086  }
0x25: {  	[simem:s6], [sflag:s4] =	dma.local [hbm:s3], $0xF7A  }
0x26: {  	[smem:$0x3F9F] =	sst s1;
	(tag) =	ssettag s2;
	_ =	strace s9  }
0x27: {  	s1 =	sld [smem:$0x3FAF]  }
0x28: {  	s2 =	sld [smem:$0x3FB0]  }
0x29: {  	s4 =	sld [smem:$0x3FB2]  }
0x2a: {  	p0 =	seq.s32 s5, $0x0;
	s5 =	sld [smem:$0x3FB3]  }
0x2b: {  	s6 =	sld [smem:$0x3FB4]  }
0x2c: {  	s7 =	sld [smem:$0x3FB5]  }
0x2d: {  	s3 =	simm.s32 $0x108;
	s8 =	sld [smem:$0x3FB6]  }
0x2e: {  	s3 =	simm.s32 @!p0 $0x1082;
	s9 =	sld [smem:$0x3FB7]  }
0x2f: {  	lr =	sadd.s32 s0, s3;
	s0 =	sld [smem:$0x3FAE]  }
0x30: {  	s3 =	sld [smem:$0x3FB1]  }
0x31: {  	[smem:$0x3FBA] =	sst s10  }
0x32: {  	s10 =	sld [smem:$0x3FB8];
	_ =	sdelay $0x3  }
0x33: {  	p0 =	seq.s32 s10, $0x1;
	s10 =	sld [smem:$0x3FBA];
	_ =	sdelay $0x3  }
0x34: {  	[smem:$0x3FBA] =	sst s10  }
0x35: {  	s10 =	sld [smem:$0x3FB9];
	_ =	sdelay $0x3  }
0x36: {  	p1 =	seq.s32 s10, $0x1;
	s10 =	sld [smem:$0x3FBA];
	_ =	sdelay $0x3  }
0x37: {  	[smem:$0x3FBA] =	sst s10  }
0x38: {  	s10 =	sld [smem:$0x3FBB]  }
0x39: {  	_ = 	snop;
	(pc) =	sbr.ind lr, $3  }
0x3a: {  	_ = 	snop  }
0x3b: {  	_ = 	snop  }
0x3c: {  	p2 =	seq.s32 s10, $0x1;
	s10 =	sld [smem:$0x3FBA]  }
0x3d: {  	_ =	shalt  }
0x3e: {  	_ =	shalt  }
0x3f: {  	_ =	shalt  }
0x40: {  	_ =	shalt  }
0x41: {  	_ =	shalt  }
0x42: {  	_ =	shalt  }
0x43: {  	_ =	shalt  }
0x44: {  	_ =	shalt  }
0x45: {  	_ =	shalt  }
0x46: {  	_ =	shalt  }
0x47: {  	_ =	shalt  }
0x48: {  	_ =	shalt  }
0x49: {  	_ =	shalt  }
0x4a: {  	_ =	shalt  }
0x4b: {  	_ =	shalt  }
0x4c: {  	_ =	shalt  }
0x4d: {  	_ =	shalt  }
0x4e: {  	_ =	shalt  }
0x4f: {  	_ =	shalt  }
0x50: {  	_ =	shalt  }
0x51: {  	_ =	shalt  }
0x52: {  	_ =	shalt  }
0x53: {  	_ =	shalt  }
0x54: {  	_ =	shalt  }
0x55: {  	_ =	shalt  }
0x56: {  	_ =	shalt  }
0x57: {  	_ =	shalt  }
0x58: {  	_ =	shalt  }
0x59: {  	_ =	shalt  }
0x5a: {  	_ =	shalt  }
0x5b: {  	_ =	shalt  }
0x5c: {  	_ =	shalt  }
0x5d: {  	_ =	shalt  }
0x5e: {  	_ =	shalt  }
0x5f: {  	_ =	shalt  }
0x60: {  	_ =	shalt  }
0x61: {  	_ =	shalt  }
0x62: {  	_ =	shalt  }
0x63: {  	_ =	shalt  }
0x64: {  	_ =	shalt  }
0x65: {  	_ =	shalt  }
0x66: {  	_ =	shalt  }
0x67: {  	_ =	shalt  }
0x68: {  	_ =	shalt  }
0x69: {  	_ =	shalt  }
0x6a: {  	_ =	shalt  }
0x6b: {  	_ =	shalt  }
0x6c: {  	_ =	shalt  }
0x6d: {  	_ =	shalt  }
0x6e: {  	_ =	shalt  }
0x6f: {  	_ =	shalt  }
0x70: {  	_ =	shalt  }
0x71: {  	_ =	shalt  }
0x72: {  	_ =	shalt  }
0x73: {  	_ =	shalt  }
0x74: {  	_ =	shalt  }
0x75: {  	_ =	shalt  }
0x76: {  	_ =	shalt  }
0x77: {  	_ =	shalt  }
0x78: {  	_ =	shalt  }
0x79: {  	_ =	shalt  }
0x7a: {  	_ =	shalt  }
0x7b: {  	_ =	shalt  }
0x7c: {  	_ =	shalt  }
0x7d: {  	_ =	shalt  }
0x7e: {  	_ =	shalt  }
0x7f: {  	_ =	shalt  }
0x80: {  	_ =	shalt  }
0x81: {  	_ =	shalt  }
0x82: {  	_ =	shalt  }
0x83: {  	_ =	shalt  }
0x84: {  	_ =	shalt  }
0x85: {  	_ =	shalt  }
0x86: {  	_ =	shalt  }
0x87: {  	_ =	shalt  }
.Lfunc_end0:
.L_simem_size_0:
called_computation_lowered:
.L_overlay_start_0:
0x88: {  	s2 =	sld [smem:$0x3FD9]  }
0x89: {  	s3 =	sld [smem:$0x3FFE];
	_ =	sdelay $0x1  }
0x8a: {  	s1 =	srdreg.scid  }
0x8b: {  	s0 =	sand.u32 $0x1, s1  }
0x8c: {  	s18 =	sshll.u32 s0, $0xA;
	s2 =	sadd.s32 s3, s2  }
0x8d: {  	s2 =	sadd.s32 s2, s18  }
0x8e: {  	[smem:$0x3FC6] =	sst s2  }
0x8f: {  	_ = 	snop  }
0x90: {  	s2 =	sld [smem:$0x3FC9]  }
0x91: {  	s19 =	sld [smem:$0x3FC8]  }
0x92: {  	s4 =	sld [smem:$0x3FD0];
	(tm) =	ssettm $0x1  }
0x93: {  	s5 =	sld [smem:$0x3FFB];
	_ =	sdelay $0x3  }
0x94: {  	_ =	strace s5  }
0x95: {  	s5 =	sld [smem:$0x3FFC];
	_ =	sdelay $0x3  }
0x96: {  	_ =	strace s5  }
0x97: {  	s5 =	sld [smem:$0x3FFD];
	_ =	sdelay $0x3  }
0x98: {  	_ =	strace s5  }
0x99: {  	_ =	strace $0x8FFFFFFF  }
0x9a: {  	s20 =	sld [smem:$0x3FDB];
	_ =	sdelay $0x1  }
0x9b: {  	s6 =	simm.s32 $_scs_section_size  }
0x9c: {  	s7 =	simm.s32 $_size__tile_overlayer_lowered;
	s8 =	simm.s32 $_tile_overlayer_lowered  }
0x9d: {  	s23 =	simm.s32 $0x1BFF;
	s22 =	sshll.u32 s8, $0x1;
	s5 =	sadd.s32 s6, s20  }
0x9e: {  	s9 =	simm.s32 $0x0;
	s21 =	sshll.u32 s7, $0x1;
	s7 =	sadd.s32 s22, s5  }
0x9f: {  	[timem:s9], [sflag:s23] =	dma.local [hbm:s7], s21  }
0xa0: {  	_ =	swait.ge [sflag:s23], s21  }
0xa1: {  	s6 =	ssub.s32 $0x0, s21;
	[sflag:s23] =	ssyncset.done $0x0  }
0xa2: {  	[sflag:s23] =	ssyncadd.s32 s6;
	_ =	sdelay $0x1  }
0xa3: {  	s24 =	simm.s32 $0x1B8B  }
0xa4: {  	_ =	swait.ge [sflag:s24], $0x1  }
0xa5: {  	[sflag:s24] =	ssyncset.done $0x0  }
0xa6: {  	s25 =	simm.s32 $0x1B8E;
	[sflag:s24] =	ssyncadd.s32 $0xFFFFFFFF  }
0xa7: {  	s26 =	simm.s32 $execute0_lowered;
	[smem:$0x3FD2] =	sst s25  }
0xa8: {  	s6 =	sshll.u32 s26, $0x1;
	_ =	strace $0x80000046;
	[dreg:$0x1] =	wrdreg $0xFFFFFFFF  }
0xa9: {  	s28 =	simm.s32 $_size_execute0_lowered;
	s5 =	sadd.s32 s5, s6;
	[dreg:$0x0] =	wrdreg $0x0  }
0xaa: {  	s6 =	sshll.u32 s28, $0x1;
	[dreg:$0x2] =	wrdreg s5  }
0xab: {  	[dreg:$0x3] =	wrdreg s6  }
0xac: {  	[dreg:$0x4] =	wrdreg $0xC0  }
0xad: {  	_ =	task [dreg:s9], $0x5FFFF  }
0xae: {  	[dreg:$0x1] =	wrdreg $0xFFFFFFFF  }
0xaf: {  	[dreg:$0x0] =	wrdreg $0x60  }
0xb0: {  	[dreg:$0x2] =	wrdreg s2  }
0xb1: {  	[dreg:$0x3] =	wrdreg s19  }
0xb2: {  	[dreg:$0x4] =	wrdreg s4  }
0xb3: {  	[dreg:$0x5] =	wrdreg $0x9  }
0xb4: {  	_ =	task.clear_ibuf [dreg:s9], $0x6FFFF;
	_ =	strace $0x90000046  }
0xb5: {  	s29 =	simm.s32 $0x9;
	_ =	strace $0x80000048  }
0xb6: {  	_ =	swait.ge [sflag:s29], $0x1  }
0xb7: {  	[sflag:s29] =	ssyncadd.s32 $0xFFFFFFFF  }
0xb8: {  	_ =	strace $0x90000048  }
0xb9: {  	_ =	sfence  }
0xba: {  	s30 =	sld [smem:$0x0];
	_ =	sdelay $0x2  }
0xbb: {  	s31 =	sshll.u32 s1, $0xD;
	s1 =	sshrl.u32 s1, $0x2  }
0xbc: {  	s3 =	sand.u32 $0x4000, s31;
	s1 =	sadd.s32 s1, s30  }
0xbd: {  	s0 =	sor.u32 s3, s0;
	s1 =	sshll.u32 s1, $0x11  }
0xbe: {  	s0 =	sor.u32 s1, s0  }
0xbf: {  	s0 =	sadd.s32 $0x8F2B, s0  }
0xc0: {  	[sflag:s0] =	ssyncadd.remote.s32 $0x1  }
0xc1: {  	_ =	sfence.sel $0xFFFF  }
0xc2: {  	[dreg:$0x0] =	wrdreg $0xFFFFFFFF;
	(pc) =	sbr.abs _section_cstart, $3  }
0xc3: {  	[dreg:$0x1] =	wrdreg $0xFFFFFFFF  }
0xc4: {  	_ =	task.clear_ibuf [dreg:s9], $0x2FFFF;
	_ =	strace $0x9FFFFFFF  }
0xc5: {  	(tm) =	ssettm $0x7FFFFFFF  }
tec
execute0_lowered:
.L_overlay_start_1:
0x0: {  	(tag) =	ssettag $0x1  }
0x1: {  	s1 =	rddreg [dreg:$0x0]  }
0x2: {  	s3 =	srdreg.scid;
	s2 =	rddreg [dreg:$0x1]  }
0x3: {  	s4 =	rddreg [dreg:$0x2];
	s5 =	sand.u32 $0x1, s3;
	s3 =	simm.s32 $0x0  }
0x4: {  	s12 =	simm.s32 $0x880;
	[smem:$0x7FF] =	sst s3  }
0x5: {  	s13 =	simm.s32 $0x1080;
	_ =	strace $0x80000047;
	[dreg:$0x6] =	wrdreg s12  }
0x6: {  	s14 =	simm.s32 $0x1880;
	[dreg:$0x7] =	wrdreg s13  }
0x7: {  	s0 =	stileid.u32;
	s15 =	simm.s32 $0x2080;
	[dreg:$0x8] =	wrdreg s14  }
0x8: {  	s16 =	simm.s32 $0x2880;
	s17 =	simm.s32 $0x3080;
	[dreg:$0x9] =	wrdreg s15  }
0x9: {  	s18 =	simm.s32 $0x3880;
	s19 =	simm.s32 $0x4080;
	[dreg:$0xa] =	wrdreg s16  }
0xa: {  	s21 =	simm.s32 $0x4880;
	s22 =	simm.s32 $0x5080;
	[dreg:$0xb] =	wrdreg s17  }
0xb: {  	s23 =	simm.s32 $0x5880;
	s24 =	simm.s32 $0x6080;
	[dreg:$0xc] =	wrdreg s18  }
0xc: {  	s25 =	simm.s32 $0x6880;
	s26 =	simm.s32 $0x7080;
	[dreg:$0xd] =	wrdreg s19  }
0xd: {  	s9 =	simm.s32 $0x5;
	s10 =	simm.s32 $0x80;
	[dreg:$0xe] =	wrdreg s21  }
0xe: {  	s28 =	simm.s32 $0xF880;
	s29 =	simm.s32 $0x1;
	[dreg:$0xf] =	wrdreg s22  }
0xf: {  	s30 =	simm.s32 $0x2;
	s31 =	simm.s32 $0x3;
	[dreg:$0x10] =	wrdreg s23  }
0x10: {  	s6 =	sshll.u32 s0, $0x7;
	s7 =	sshll.u32 s5, $0x6;
	[dreg:$0x11] =	wrdreg s24  }
0x11: {  	s5 =	ssub.s32 $0x2, s5;
	s6 =	sor.u32 s7, s6;
	[dreg:$0x12] =	wrdreg s25  }
0x12: {  	s20 =	sshrl.u32 s5, $0x1;
	[dreg:$0x13] =	wrdreg s26;
	s12 =	simm.s32 $0x8080  }
0x13: {  	s13 =	simm.s32 $0x8880;
	s14 =	simm.s32 $0x9080;
	s15 =	simm.s32 $0x9880  }
0x14: {  	s16 =	simm.s32 $0xA080;
	s17 =	simm.s32 $0xA880;
	s18 =	simm.s32 $0xB080  }
0x15: {  	s19 =	simm.s32 $0xB880;
	s21 =	simm.s32 $0xC880;
	s22 =	simm.s32 $0xD080  }
0x16: {  	s23 =	simm.s32 $0xD880;
	s24 =	simm.s32 $0xE080;
	s25 =	simm.s32 $0xE880  }
0x17: {  	s26 =	simm.s32 $0xF080;
	s7 =	sshrl.u32 s6, $0x3;
	s6 =	sshll.u32 s6, $0x7  }
0x18: {  	s8 =	ssub.s32 s5, s20;
	s5 =	sadd.s32 $0x100, s2;
	s20 =	simm.s32 $0xC080  }
0x19: {  	v2 =	vlaneseq.u32;
	s1 =	sadd.s32 s1, s7;
	s4 =	sadd.s32 s4, s6;
	s6 =	sadd.s32 $0x200, s2  }
0x1a: {  	vm0 =	vmmov $0xffff;
	v1 =	vshrl.u32 v2, $0x3;
	s7 =	sadd.s32 $0x300, s2;
	[dreg:$0x4] =	wrdreg s1;
	s11 =	sadd.s32 $0x1000, s4  }
0x1b: {  	v0 =	vand.u32 $0x7, v2;
	v2 =	vor.u32 $0x8, v2;
	v1 =	vmul.u32 $0x8, v1;
	s8 =	smax.u32 s8, $0x1;
	s1 =	simm.s32 $0x4;
	[dreg:$0x5] =	wrdreg s11  }
.LBB2_1:
0x1c: {  	s0 =	rddreg [dreg:$0x4]  }
0x1d: {  	[tilespmem:s3], [sflag:$0x5] =	stream.linear.gather [hbm4b:s0+s3], $0x40, $0x38;
	[tilespmem:$0x10080] =	vst v63  }
0x1e: {  	_ =	swait.ge [sflag:s9], $0x40  }
0x1f: {  	[sflag:s9] =	ssyncset.done $0x0  }
0x20: {  	[sflag:s9] =	ssyncadd.s32 $0xFFFFFFC0  }
0x21: {  	v3 =	vld [tilespmem:$0x0];
	_ =	sdelay $0x4  }
0x22: {  	v4 =	vshll.u32 v3, $0x3  }
0x23: {  	v3 =	vand.u32 $0x7, v3;
	v4 =	vand.u32 $0xFFFFFFC0, v4  }
0x24: {  	v3 =	vor.u32 v3, v4  }
0x25: {  	v4 =	vperm.xlane v3, v0;
	_ =	sdelay $0x1  }
0x26: {  	v4 =	vadd.s32 v1, v4;
	_ =	sdelay $0x4  }
0x27: {  	[tilespmem:s10], [sflag:$0x1] =	stream.indirect_vreg.gather [hbm4b:s2+s3], $0x80, v4, vm0, $0xb8;
	[tilespmem:$0x10080] =	vst v63  }
0x28: {  	s0 =	rddreg [dreg:$0x6];
	v3 =	vperm.xlane v3, v2  }
0x29: {  	[tilespmem:s0], [sflag:$0x1] =	stream.indirect_vreg.gather [hbm4b:s5+s3], $0x80, v4, vm0, $0xb8;
	[tilespmem:$0x10080] =	vst v63  }
0x2a: {  	s11 =	rddreg [dreg:$0x7];
	v3 =	vadd.s32 v1, v3  }
0x2b: {  	[tilespmem:s11], [sflag:$0x1] =	stream.indirect_vreg.gather [hbm4b:s6+s3], $0x80, v4, vm0, $0xb8;
	[tilespmem:$0x10080] =	vst v63  }
0x2c: {  	s0 =	rddreg [dreg:$0x8]  }
0x2d: {  	[tilespmem:s0], [sflag:$0x1] =	stream.indirect_vreg.gather [hbm4b:s7+s3], $0x80, v4, vm0, $0xb8;
	[tilespmem:$0x10080] =	vst v63  }
0x2e: {  	s11 =	rddreg [dreg:$0x9]  }
0x2f: {  	[tilespmem:s11], [sflag:$0x1] =	stream.indirect_vreg.gather [hbm4b:s2+s3], $0x80, v3, vm0, $0xb8;
	[tilespmem:$0x10080] =	vst v63  }
0x30: {  	s0 =	rddreg [dreg:$0xa]  }
0x31: {  	[tilespmem:s0], [sflag:$0x1] =	stream.indirect_vreg.gather [hbm4b:s5+s3], $0x80, v3, vm0, $0xb8;
	[tilespmem:$0x10080] =	vst v63  }
0x32: {  	s11 =	rddreg [dreg:$0xb]  }
0x33: {  	[tilespmem:s11], [sflag:$0x1] =	stream.indirect_vreg.gather [hbm4b:s6+s3], $0x80, v3, vm0, $0xb8;
	[tilespmem:$0x10080] =	vst v63  }
0x34: {  	s0 =	rddreg [dreg:$0xc]  }
0x35: {  	[tilespmem:s0], [sflag:$0x1] =	stream.indirect_vreg.gather [hbm4b:s7+s3], $0x80, v3, vm0, $0xb8;
	[tilespmem:$0x10080] =	vst v63  }
0x36: {  	v3 =	vld [tilespmem:$0x10];
	_ =	sdelay $0x4  }
0x37: {  	v61 =	vshll.u32 v3, $0x3  }
0x38: {  	v3 =	vand.u32 $0x7, v3;
	v4 =	vand.u32 $0xFFFFFFC0, v61  }
0x39: {  	v3 =	vor.u32 v3, v4  }
0x3a: {  	v4 =	vperm.xlane v3, v0;
	_ =	sdelay $0x1  }
0x3b: {  	v4 =	vadd.s32 v1, v4;
	_ =	sdelay $0x3  }
0x3c: {  	s0 =	rddreg [dreg:$0xd]  }
0x3d: {  	[tilespmem:s0], [sflag:$0x1] =	stream.indirect_vreg.gather [hbm4b:s2+s3], $0x80, v4, vm0, $0xb8;
	[tilespmem:$0x10080] =	vst v63  }
0x3e: {  	s11 =	rddreg [dreg:$0xe];
	v3 =	vperm.xlane v3, v2  }
0x3f: {  	[tilespmem:s11], [sflag:$0x1] =	stream.indirect_vreg.gather [hbm4b:s5+s3], $0x80, v4, vm0, $0xb8;
	[tilespmem:$0x10080] =	vst v63  }
0x40: {  	v3 =	vadd.s32 v1, v3;
	s0 =	rddreg [dreg:$0xf]  }
0x41: {  	[tilespmem:s0], [sflag:$0x1] =	stream.indirect_vreg.gather [hbm4b:s6+s3], $0x80, v4, vm0, $0xb8;
	[tilespmem:$0x10080] =	vst v63  }
0x42: {  	s11 =	rddreg [dreg:$0x10]  }
0x43: {  	[tilespmem:s11], [sflag:$0x1] =	stream.indirect_vreg.gather [hbm4b:s7+s3], $0x80, v4, vm0, $0xb8;
	[tilespmem:$0x10080] =	vst v63  }
0x44: {  	s0 =	rddreg [dreg:$0x11]  }
0x45: {  	[tilespmem:s0], [sflag:$0x1] =	stream.indirect_vreg.gather [hbm4b:s2+s3], $0x80, v3, vm0, $0xb8;
	[tilespmem:$0x10080] =	vst v63  }
0x46: {  	s11 =	rddreg [dreg:$0x12]  }
0x47: {  	[tilespmem:s11], [sflag:$0x1] =	stream.indirect_vreg.gather [hbm4b:s5+s3], $0x80, v3, vm0, $0xb8;
	[tilespmem:$0x10080] =	vst v63  }
0x48: {  	s0 =	rddreg [dreg:$0x13]  }
0x49: {  	[tilespmem:s0], [sflag:$0x1] =	stream.indirect_vreg.gather [hbm4b:s6+s3], $0x80, v3, vm0, $0xb8;
	[tilespmem:$0x10080] =	vst v63  }
0x4a: {  	s11 =	simm.s32 $0x7880  }
0x4b: {  	[tilespmem:s11], [sflag:$0x1] =	stream.indirect_vreg.gather [hbm4b:s7+s3], $0x80, v3, vm0, $0xb8;
	[tilespmem:$0x10080] =	vst v63  }
0x4c: {  	v3 =	vld [tilespmem:$0x20];
	_ =	sdelay $0x4  }
0x4d: {  	v62 =	vshll.u32 v3, $0x3  }
0x4e: {  	v3 =	vand.u32 $0x7, v3;
	v4 =	vand.u32 $0xFFFFFFC0, v62  }
0x4f: {  	v3 =	vor.u32 v3, v4  }
0x50: {  	v4 =	vperm.xlane v3, v0;
	_ =	sdelay $0x1  }
0x51: {  	v4 =	vadd.s32 v1, v4;
	_ =	sdelay $0x4  }
0x52: {  	[tilespmem:s12], [sflag:$0x2] =	stream.indirect_vreg.gather [hbm4b:s2+s3], $0x80, v4, vm0, $0xb8;
	[tilespmem:$0x10080] =	vst v63  }
0x53: {  	v3 =	vperm.xlane v3, v2  }
0x54: {  	[tilespmem:s13], [sflag:$0x2] =	stream.indirect_vreg.gather [hbm4b:s5+s3], $0x80, v4, vm0, $0xb8;
	[tilespmem:$0x10080] =	vst v63  }
0x55: {  	v3 =	vadd.s32 v1, v3  }
0x56: {  	[tilespmem:s14], [sflag:$0x2] =	stream.indirect_vreg.gather [hbm4b:s6+s3], $0x80, v4, vm0, $0xb8;
	[tilespmem:$0x10080] =	vst v63  }
0x57: {  	_ = 	snop  }
0x58: {  	[tilespmem:s15], [sflag:$0x2] =	stream.indirect_vreg.gather [hbm4b:s7+s3], $0x80, v4, vm0, $0xb8;
	[tilespmem:$0x10080] =	vst v63  }
0x59: {  	_ = 	snop  }
0x5a: {  	[tilespmem:s16], [sflag:$0x2] =	stream.indirect_vreg.gather [hbm4b:s2+s3], $0x80, v3, vm0, $0xb8;
	[tilespmem:$0x10080] =	vst v63  }
0x5b: {  	_ = 	snop  }
0x5c: {  	[tilespmem:s17], [sflag:$0x2] =	stream.indirect_vreg.gather [hbm4b:s5+s3], $0x80, v3, vm0, $0xb8;
	[tilespmem:$0x10080] =	vst v63  }
0x5d: {  	_ = 	snop  }
0x5e: {  	[tilespmem:s18], [sflag:$0x2] =	stream.indirect_vreg.gather [hbm4b:s6+s3], $0x80, v3, vm0, $0xb8;
	[tilespmem:$0x10080] =	vst v63  }
0x5f: {  	_ = 	snop  }
0x60: {  	[tilespmem:s19], [sflag:$0x2] =	stream.indirect_vreg.gather [hbm4b:s7+s3], $0x80, v3, vm0, $0xb8;
	[tilespmem:$0x10080] =	vst v63  }
0x61: {  	v3 =	vld [tilespmem:$0x30];
	_ =	sdelay $0x4  }
0x62: {  	v63 =	vshll.u32 v3, $0x3  }
0x63: {  	v3 =	vand.u32 $0x7, v3;
	v4 =	vand.u32 $0xFFFFFFC0, v63  }
0x64: {  	v3 =	vor.u32 v3, v4  }
0x65: {  	v4 =	vperm.xlane v3, v0;
	_ =	sdelay $0x1  }
0x66: {  	v4 =	vadd.s32 v1, v4;
	_ =	sdelay $0x4  }
0x67: {  	[tilespmem:s20], [sflag:$0x2] =	stream.indirect_vreg.gather [hbm4b:s2+s3], $0x80, v4, vm0, $0xb8;
	[tilespmem:$0x10080] =	vst v63  }
0x68: {  	v3 =	vperm.xlane v3, v2  }
0x69: {  	[tilespmem:s21], [sflag:$0x2] =	stream.indirect_vreg.gather [hbm4b:s5+s3], $0x80, v4, vm0, $0xb8;
	[tilespmem:$0x10080] =	vst v63  }
0x6a: {  	v3 =	vadd.s32 v1, v3  }
0x6b: {  	[tilespmem:s22], [sflag:$0x2] =	stream.indirect_vreg.gather [hbm4b:s6+s3], $0x80, v4, vm0, $0xb8;
	[tilespmem:$0x10080] =	vst v63  }
0x6c: {  	_ = 	snop  }
0x6d: {  	[tilespmem:s23], [sflag:$0x2] =	stream.indirect_vreg.gather [hbm4b:s7+s3], $0x80, v4, vm0, $0xb8;
	[tilespmem:$0x10080] =	vst v63  }
0x6e: {  	_ = 	snop  }
0x6f: {  	[tilespmem:s24], [sflag:$0x2] =	stream.indirect_vreg.gather [hbm4b:s2+s3], $0x80, v3, vm0, $0xb8;
	[tilespmem:$0x10080] =	vst v63  }
0x70: {  	_ = 	snop  }
0x71: {  	[tilespmem:s25], [sflag:$0x2] =	stream.indirect_vreg.gather [hbm4b:s5+s3], $0x80, v3, vm0, $0xb8;
	[tilespmem:$0x10080] =	vst v63  }
0x72: {  	_ = 	snop  }
0x73: {  	[tilespmem:s26], [sflag:$0x2] =	stream.indirect_vreg.gather [hbm4b:s6+s3], $0x80, v3, vm0, $0xb8;
	[tilespmem:$0x10080] =	vst v63  }
0x74: {  	_ = 	snop  }
0x75: {  	[tilespmem:s28], [sflag:$0x2] =	stream.indirect_vreg.gather [hbm4b:s7+s3], $0x80, v3, vm0, $0xb8;
	[tilespmem:$0x10080] =	vst v63  }
0x76: {  	_ =	swait.ge [sflag:s29], $0x8000  }
0x77: {  	[sflag:s29] =	ssyncset.done $0x0  }
0x78: {  	[sflag:s29] =	ssyncadd.s32 $0xFFFF8000  }
0x79: {  	[hbm4b:s4+s3] =	stream.linear.scatter [tilespmem:s10], [sflag:$0x3], $0x8000, $0x38;
	[tilespmem:$0x10080] =	vst v63  }
0x7a: {  	_ =	swait.ge [sflag:s30], $0x8000  }
0x7b: {  	[sflag:s30] =	ssyncset.done $0x0  }
0x7c: {  	[sflag:s30] =	ssyncadd.s32 $0xFFFF8000  }
0x7d: {  	_ =	swait.ge [sflag:s31], $0x8000  }
0x7e: {  	p0 =	sne.s32 s8, $0x1;
	[sflag:s31] =	ssyncset.done $0x0  }
.Ltmp0:
0x7f: {  	s11 =	rddreg [dreg:$0x5];
	[sflag:s31] =	ssyncadd.s32 $0xFFFF8000;
	(pc) =	sbr.rel @p0 .LBB2_1-.Ltmp0, $4  }
0x80: {  	[hbm4b:s11+s3] =	stream.linear.scatter [tilespmem:s12], [sflag:$0x4], $0x8000, $0x38;
	[tilespmem:$0x10080] =	vst v63  }
0x81: {  	_ =	swait.ge [sflag:s1], $0x8000  }
0x82: {  	[sflag:s1] =	ssyncset.done $0x0  }
0x83: {  	s8 =	sadd.s32 $0xFFFFFFFF, s8;
	[sflag:s1] =	ssyncadd.s32 $0xFFFF8000  }
0x84: {  	_ =	sfence.sel $0x180000  }
0x85: {  	[bflag:$0x0] =	sbarrier.arrive $0xFFFF  }
0x86: {  	_ =	strace $0x90000047  }
0x87: {  	s0 =	stileid.u32;
	[bflag:$0x2] =	sbarrier.arrive $0xFFFF  }
0x88: {  	p0 =	sne.s32 s0, $0x0;
	s0 =	rddreg [dreg:$0x3]  }
0x89: {  	s0 =	sadd.s32 @!p0 $0x100000, s0  }
0x8a: {  	[sflag:s0] =	ssyncadd.tile.s32 @!p0 $0x1;
	_ =	shalt  }
.Lfunc_end2:
_tile_overlayer_lowered:
.L_overlay_start_2:
0x8b: {  	(tag) =	ssettag $0x2  }
0x8c: {  	s0 =	rddreg [dreg:$0x0];
	s2 =	stileid.u32  }
0x8d: {  	s1 =	rddreg [dreg:$0x1];
	p0 =	sne.s32 s2, $0x0  }
0x8e: {  	s3 =	rddreg [dreg:$0x2];
	[bflag:$0x3] =	sbarrier.arrive $0xFFFF;
	s2 =	simm.s32 @!p0 $0x1C05  }
0x8f: {  	[timem:s3], [sflag:s2] =	dma.local @!p0 [hbm:s0], s1  }
0x90: {  	s0 =	simm.s32 @!p0 $0x5  }
0x91: {  	_ =	swait.ge @!p0 [sflag:s0], s1  }
0x92: {  	s1 =	ssub.s32 @!p0 $0x0, s1;
	[sflag:s0] =	ssyncset.done @!p0 $0x0  }
0x93: {  	[sflag:s0] =	ssyncadd.s32 @!p0 s1  }
0x94: {  	[bflag:$0x3] =	sbarrier.arrive $0xFFFF  }
0x95: {  	_ =	shalt  }

</sc_bundles>
